<compile_context>
chip_gen: v7x
topology: tpu7x:2x2x1
jax: 0.10.2.dev20260603
libtpu: 0.0.44.dev20260713+nightly
codegen_flags: <defaults>
</compile_context>

<pallas_src>
import jax
import jax.numpy as jnp
from jax import lax
from jax.experimental import pallas as pl
from jax.experimental.pallas import tpu as pltpu
from jax.experimental.pallas import tpu_sc as plsc
from jax._src.pallas import mpmd as pl_mpmd

B, L, V, D = 4096, 200, 100000, 128
DE = 8
DO = D + 2 * DE
N_TOK = B * L

NC, NS = 2, 16
NW = NC * NS
TOK_PER_W = N_TOK // NW
K = 2
CHUNK = K * 128
N_CHUNKS = TOK_PER_W // CHUNK
ROWS_PER_W = TOK_PER_W // 128

N_ROWS = N_TOK // 128
TC_BLK = 1024


def _sc_body(x_hbm, w_hbm, out_hbm,
             idx0, word0, idx1, word1,
             sem_g, sem_out0, sem_out1, sem_idx0, sem_idx1):
    wid = lax.axis_index("s") * NC + lax.axis_index("c")
    tok0 = wid * TOK_PER_W
    row0 = wid * ROWS_PER_W

    slots = ((idx0, word0, sem_out0, sem_idx0),
             (idx1, word1, sem_out1, sem_idx1))

    def out_slice(c):
        base = tok0 + c * CHUNK
        return out_hbm.at[pl.ds(base, CHUNK)]

    def do_chunk(t, s):
        idx_v, word_v, sem_out, sem_idx = slots[s]
        other_idx, _, _, other_sem = slots[1 - s]
        c = t * 2 + s
        pltpu.make_async_copy(
            x_hbm.at[pl.ds(row0, K)], idx_v, sem_idx).wait()

        @pl.when(c < N_CHUNKS - 1)
        def _():
            r = row0 + (c + 1) * K
            pltpu.async_copy(x_hbm.at[pl.ds(r, K)], other_idx, other_sem)

        @pl.when(t >= 1)
        def _():
            pltpu.make_async_copy(word_v, out_slice(c), sem_out).wait()

        cps = [pltpu.async_copy(
            w_hbm.at[idx_v.at[j]], word_v.at[pl.ds(j * 128, 128)], sem_g)
            for j in range(K)]
        for cp in cps:
            cp.wait()
        pltpu.async_copy(word_v, out_slice(c), sem_out)

    pltpu.async_copy(x_hbm.at[pl.ds(row0, K)], idx0, sem_idx0)

    def outer(t, carry):
        do_chunk(t, 0)
        do_chunk(t, 1)
        return carry

    lax.fori_loop(0, N_CHUNKS // 2, outer, 0)

    for s in range(2):
        idx_v, word_v, sem_out, _ = slots[s]
        pltpu.make_async_copy(word_v, out_slice(N_CHUNKS - 2 + s),
                              sem_out).wait()


def _tc_body(word_ref, xe_ref, xn_ref, went_ref, wneg_ref, out_ref):
    e = xe_ref[...]
    n = xn_ref[...]
    went = went_ref[...]
    wneg = wneg_ref[...]
    ent = jnp.zeros((DE, TC_BLK), jnp.float32)
    neg = jnp.zeros((DE, TC_BLK), jnp.float32)
    for r in range(3):
        ent = ent + jnp.where(e == r, went[:, r:r + 1], 0.0)
        neg = neg + jnp.where(n == r, wneg[:, r:r + 1], 0.0)
    en = jnp.concatenate([ent, neg], axis=0).T
    out_ref[...] = jnp.concatenate([word_ref[...], en], axis=1)


@jax.jit
def _run(x2d, xe2d, xn2d, w, w_ent, w_neg):
    mesh = plsc.VectorSubcoreMesh(core_axis_name="c", subcore_axis_name="s")
    sc = pl.kernel(
        _sc_body,
        out_type=jax.ShapeDtypeStruct((N_TOK, D), jnp.float32),
        mesh=mesh,
        scratch_types=[
            pltpu.VMEM((K, 128), jnp.int32),
            pltpu.VMEM((CHUNK, D), jnp.float32),
            pltpu.VMEM((K, 128), jnp.int32),
            pltpu.VMEM((CHUNK, D), jnp.float32),
            pltpu.SemaphoreType.DMA,
            pltpu.SemaphoreType.DMA,
            pltpu.SemaphoreType.DMA,
            pltpu.SemaphoreType.DMA,
            pltpu.SemaphoreType.DMA,
        ],
        compiler_params=pltpu.CompilerParams(
            use_tc_tiling_on_sc=True, needs_layout_passes=False),
    )
    out_words = sc(x2d, w)

    grid = (N_TOK // TC_BLK,)
    return pl.pallas_call(
        _tc_body,
        grid=grid,
        in_specs=[
            pl.BlockSpec((TC_BLK, D), lambda i: (i, 0)),
            pl.BlockSpec((1, TC_BLK), lambda i: (0, i)),
            pl.BlockSpec((1, TC_BLK), lambda i: (0, i)),
            pl.BlockSpec((DE, 3), lambda i: (0, 0)),
            pl.BlockSpec((DE, 3), lambda i: (0, 0)),
        ],
        out_specs=pl.BlockSpec((TC_BLK, DO), lambda i: (i, 0)),
        out_shape=jax.ShapeDtypeStruct((N_TOK, DO), jnp.float32),
    )(out_words, xe2d, xn2d, w_ent, w_neg)


def kernel(x, x_entity, x_negation, target, text_inputs, use_elmo,
           W, W_entity, W_negation):
    out = _run(x.reshape(N_ROWS, 128).astype(jnp.int32),
               x_entity.reshape(1, N_TOK).astype(jnp.int32),
               x_negation.reshape(1, N_TOK).astype(jnp.int32),
               W, W_entity.T, W_negation.T)
    return out.reshape(B, L, DO)

# --- scband reference (transcript-rebuilt; emitter-appended) ---
"""Pipeline reference for scband-word-rep-eh-37778532336015 (READ-ONLY COPY).

The authoritative reference and input builder live on the scoring server;
editing this copy changes nothing except your own understanding.
"""

import jax, jax.numpy as jnp
import numpy as np

B, L, V, D = 4096, 200, 100000, 128

def setup_inputs(seed: int = 0) -> dict:
    key = jax.random.key(seed)
    k1, k2, k3, k4, k5, k6 = jax.random.split(key, 6)
    x = jax.random.randint(k1, (B, L), 0, V)
    x_entity = jax.random.randint(k2, (B, L), 0, 3)
    x_negation = jax.random.randint(k3, (B, L), 0, 3)
    target = jnp.zeros((B, 50), dtype=jnp.int64 if jax.config.jax_enable_x64 else jnp.int32)
    text_inputs = jnp.zeros((B, L), dtype=jnp.int32)
    W = jax.random.normal(k4, (V, D), dtype=jnp.float32) * 0.02
    W = W.at[0].set(0.0)  # padding_idx=0
    W_entity = jax.random.normal(k5, (3, 8), dtype=jnp.float32) * 0.02
    W_entity = W_entity.at[0].set(0.0)  # padding_idx=0
    W_negation = jax.random.normal(k6, (3, 8), dtype=jnp.float32) * 0.02
    W_negation = W_negation.at[0].set(0.0)  # padding_idx=0
    return {"x": x, "x_entity": x_entity, "x_negation": x_negation,
            "target": target, "text_inputs": text_inputs, "use_elmo": 0,
            "W": W, "W_entity": W_entity, "W_negation": W_negation}

def reference(x, x_entity, x_negation, target, text_inputs, use_elmo, W, W_entity, W_negation):
    # features = [embed(x), embed_entity(x_entity), embed_negation(x_negation)]
    e_word = jnp.take(W, x, axis=0)              # [B, L, 128]
    e_ent = jnp.take(W_entity, x_entity, axis=0) # [B, L, 8]
    e_neg = jnp.take(W_negation, x_negation, axis=0)  # [B, L, 8]
    # use_elmo is False -> no elmo branch
    out = jnp.concatenate([e_word, e_ent, e_neg], axis=2)  # [B, L, 144]
    # embed_drop: Dropout(p=0.2) is identity in eval mode
    return out

if __name__ == "__main__":
    import jax
    _d = setup_inputs()
    print(jax.jit(kernel)(*tuple(_d.values())))

</pallas_src>

<mosaic_0001>
#map = affine_map<(d0, d1) -> (0, 0)>
module attributes {stable_mosaic.version = 14 : i64} {
  func.func @_sc_body(%arg0: i32, %arg1: i32, %arg2: memref<6400x128xi32, #tpu.memory_space<hbm>>, %arg3: memref<100000x128xf32, #tpu.memory_space<hbm>>, %arg4: memref<819200x128xf32, #tpu.memory_space<hbm>>, %arg5: memref<2x128xi32, #tpu.memory_space<vmem>>, %arg6: memref<256x128xf32, #tpu.memory_space<vmem>>, %arg7: memref<2x128xi32, #tpu.memory_space<vmem>>, %arg8: memref<256x128xf32, #tpu.memory_space<vmem>>, %arg9: memref<!tpu.dma_semaphore, #tpu.memory_space<semaphore_mem>>, %arg10: memref<!tpu.dma_semaphore, #tpu.memory_space<semaphore_mem>>, %arg11: memref<!tpu.dma_semaphore, #tpu.memory_space<semaphore_mem>>, %arg12: memref<!tpu.dma_semaphore, #tpu.memory_space<semaphore_mem>>, %arg13: memref<!tpu.dma_semaphore, #tpu.memory_space<semaphore_mem>>) attributes {dimension_semantics = [#tpu.dimension_semantics<core_parallel>, #tpu.dimension_semantics<subcore_parallel>], iteration_bounds = array<i64: 2, 16>, scalar_prefetch = 0 : i64, scratch_operands = 9 : i64, tpu.core_type = #tpu.core_type<sc_vector_subcore>, window_params = [{transform_indices = #map}, {transform_indices = #map}, {transform_indices = #map}]} {
    %mul3A = arith.constant 2 : i32
    %mul3A_0 = arith.muli %arg1, %mul3A : i32
    %add3A = arith.addi %mul3A_0, %arg0 : i32
    %mul3A_1 = arith.constant 25600 : i32
    %mul3A_2 = arith.muli %add3A, %mul3A_1 : i32
    %mul3A_3 = arith.constant 200 : i32
    %mul3A_4 = arith.muli %add3A, %mul3A_3 : i32
    %dma_start3A = arith.constant 0 : i32
    %dma_start3A_5 = tpu.memref_slice %arg2[%mul3A_4, %dma_start3A] : memref<6400x128xi32, #tpu.memory_space<hbm>> -> memref<2x128xi32, #tpu.memory_space<hbm>>
    %dma_start3A_6 = arith.constant 0 : i32
    %dma_start3A_7 = tpu.memref_slice %arg2[%mul3A_4, %dma_start3A_6] : memref<6400x128xi32, #tpu.memory_space<hbm>> -> memref<2x128xi32, #tpu.memory_space<hbm>>
    tpu.enqueue_dma source(%dma_start3A_7 : memref<2x128xi32, #tpu.memory_space<hbm>>) target(%arg5 : memref<2x128xi32, #tpu.memory_space<vmem>>) target_semaphore(%arg12 : memref<!tpu.dma_semaphore, #tpu.memory_space<semaphore_mem>>)
    %scan3A = arith.constant 0 : i32
    %scan3A_8 = arith.constant 0 : i32
    %scan3A_9 = arith.constant 50 : i32
    %scan3A_10 = arith.addi %scan3A_8, %scan3A_9 : i32
    %scan3A_11 = arith.constant 1 : i32
    scf.for %scan3A_24 = %scan3A_8 to %scan3A_10 step %scan3A_11  : i32 {
      %mul3A_25 = arith.constant 2 : i32
      %mul3A_26 = arith.muli %scan3A_24, %mul3A_25 : i32
      %add3A_27 = arith.constant 0 : i32
      %add3A_28 = arith.addi %mul3A_26, %add3A_27 : i32
      %dma_wait3A_29 = arith.constant 0 : i32
      %dma_wait3A_30 = tpu.memref_slice %arg2[%mul3A_4, %dma_wait3A_29] : memref<6400x128xi32, #tpu.memory_space<hbm>> -> memref<2x128xi32, #tpu.memory_space<hbm>>
      %dma_wait3A_31 = arith.constant 0 : i32
      %dma_wait3A_32 = tpu.memref_slice %arg2[%mul3A_4, %dma_wait3A_31] : memref<6400x128xi32, #tpu.memory_space<hbm>> -> memref<2x128xi32, #tpu.memory_space<hbm>>
      tpu.wait_dma2 semaphore(%arg12 : memref<!tpu.dma_semaphore, #tpu.memory_space<semaphore_mem>>) src(%dma_wait3A_32 : memref<2x128xi32, #tpu.memory_space<hbm>>) dst(%arg5 : memref<2x128xi32, #tpu.memory_space<vmem>>)
      %lt3A = arith.constant 99 : i32
      %lt3A_33 = arith.cmpi slt, %add3A_28, %lt3A : i32
      %convert_element_type3A = arith.extui %lt3A_33 : i1 to i32
      %cond3A = arith.constant 0 : i32
      %cond3A_34 = arith.cmpi ne, %convert_element_type3A, %cond3A : i32
      scf.if %cond3A_34 {
        %add3A_151 = arith.constant 1 : i32
        %add3A_152 = arith.addi %add3A_28, %add3A_151 : i32
        %mul3A_153 = arith.constant 2 : i32
        %mul3A_154 = arith.muli %add3A_152, %mul3A_153 : i32
        %add3A_155 = arith.addi %mul3A_4, %mul3A_154 : i32
        %dma_start3A_156 = arith.constant 0 : i32
        %dma_start3A_157 = tpu.memref_slice %arg2[%add3A_155, %dma_start3A_156] : memref<6400x128xi32, #tpu.memory_space<hbm>> -> memref<2x128xi32, #tpu.memory_space<hbm>>
        %dma_start3A_158 = arith.constant 0 : i32
        %dma_start3A_159 = tpu.memref_slice %arg2[%add3A_155, %dma_start3A_158] : memref<6400x128xi32, #tpu.memory_space<hbm>> -> memref<2x128xi32, #tpu.memory_space<hbm>>
        tpu.enqueue_dma source(%dma_start3A_159 : memref<2x128xi32, #tpu.memory_space<hbm>>) target(%arg7 : memref<2x128xi32, #tpu.memory_space<vmem>>) target_semaphore(%arg13 : memref<!tpu.dma_semaphore, #tpu.memory_space<semaphore_mem>>)
      } else {
      }
      %ge3A = arith.constant 1 : i32
      %ge3A_35 = arith.cmpi sge, %scan3A_24, %ge3A : i32
      %convert_element_type3A_36 = arith.extui %ge3A_35 : i1 to i32
      %cond3A_37 = arith.constant 0 : i32
      %cond3A_38 = arith.cmpi ne, %convert_element_type3A_36, %cond3A_37 : i32
      scf.if %cond3A_38 {
        %mul3A_151 = arith.constant 256 : i32
        %mul3A_152 = arith.muli %add3A_28, %mul3A_151 : i32
        %add3A_153 = arith.addi %mul3A_2, %mul3A_152 : i32
        %dma_wait3A_154 = arith.constant 0 : i32
        %dma_wait3A_155 = tpu.memref_slice %arg4[%add3A_153, %dma_wait3A_154] : memref<819200x128xf32, #tpu.memory_space<hbm>> -> memref<256x128xf32, #tpu.memory_space<hbm>>
        %dma_wait3A_156 = arith.constant 0 : i32
        %dma_wait3A_157 = tpu.memref_slice %arg4[%add3A_153, %dma_wait3A_156] : memref<819200x128xf32, #tpu.memory_space<hbm>> -> memref<256x128xf32, #tpu.memory_space<hbm>>
        tpu.wait_dma2 semaphore(%arg10 : memref<!tpu.dma_semaphore, #tpu.memory_space<semaphore_mem>>) src(%arg6 : memref<256x128xf32, #tpu.memory_space<vmem>>) dst(%dma_wait3A_157 : memref<256x128xf32, #tpu.memory_space<hbm>>)
      } else {
      }
      %dma_start3A_39 = arith.constant 0 : i32
      %dma_start3A_40 = arith.constant 0 : i32
      %dma_start3A_41 = arith.constant 0 : i32
      %dma_start3A_42 = tpu.memref_slice %arg6[%dma_start3A_40, %dma_start3A_41] : memref<256x128xf32, #tpu.memory_space<vmem>> -> memref<128x128xf32, #tpu.memory_space<vmem>>
      %dma_start3A_43 = arith.constant 0 : i32
      %dma_start3A_44 = tpu.memref_slice %arg5[%dma_start3A_39, %dma_start3A_43] : memref<2x128xi32, #tpu.memory_space<vmem>> -> memref<1x128xi32, #tpu.memory_space<vmem>>
      %dma_start3A_45 = tpu.memref_squeeze %dma_start3A_44 : memref<1x128xi32, #tpu.memory_space<vmem>> -> memref<128xi32, #tpu.memory_space<vmem>>
      %dma_start3A_46 = arith.constant 0 : i32
      %dma_start3A_47 = arith.constant 0 : i32
      %dma_start3A_48 = tpu.memref_slice %arg3[%dma_start3A_46, %dma_start3A_47] : memref<100000x128xf32, #tpu.memory_space<hbm>> -> memref<100000x128xf32, #tpu.memory_space<hbm>>
      tpu.enqueue_indirect_dma source(%dma_start3A_48 : memref<100000x128xf32, #tpu.memory_space<hbm>>) target(%dma_start3A_42 : memref<128x128xf32, #tpu.memory_space<vmem>>) offsets(%dma_start3A_45 : memref<128xi32, #tpu.memory_space<vmem>>) semaphore(%arg9 : memref<!tpu.dma_semaphore, #tpu.memory_space<semaphore_mem>>)
      %dma_start3A_49 = arith.constant 1 : i32
      %dma_start3A_50 = arith.constant 128 : i32
      %dma_start3A_51 = arith.constant 0 : i32
      %dma_start3A_52 = tpu.memref_slice %arg6[%dma_start3A_50, %dma_start3A_51] : memref<256x128xf32, #tpu.memory_space<vmem>> -> memref<128x128xf32, #tpu.memory_space<vmem>>
      %dma_start3A_53 = arith.constant 0 : i32
      %dma_start3A_54 = tpu.memref_slice %arg5[%dma_start3A_49, %dma_start3A_53] : memref<2x128xi32, #tpu.memory_space<vmem>> -> memref<1x128xi32, #tpu.memory_space<vmem>>
      %dma_start3A_55 = tpu.memref_squeeze %dma_start3A_54 : memref<1x128xi32, #tpu.memory_space<vmem>> -> memref<128xi32, #tpu.memory_space<vmem>>
      %dma_start3A_56 = arith.constant 0 : i32
      %dma_start3A_57 = arith.constant 0 : i32
      %dma_start3A_58 = tpu.memref_slice %arg3[%dma_start3A_56, %dma_start3A_57] : memref<100000x128xf32, #tpu.memory_space<hbm>> -> memref<100000x128xf32, #tpu.memory_space<hbm>>
      tpu.enqueue_indirect_dma source(%dma_start3A_58 : memref<100000x128xf32, #tpu.memory_space<hbm>>) target(%dma_start3A_52 : memref<128x128xf32, #tpu.memory_space<vmem>>) offsets(%dma_start3A_55 : memref<128xi32, #tpu.memory_space<vmem>>) semaphore(%arg9 : memref<!tpu.dma_semaphore, #tpu.memory_space<semaphore_mem>>)
      %dma_wait3A_59 = arith.constant 0 : i32
      %dma_wait3A_60 = arith.constant 0 : i32
      %dma_wait3A_61 = arith.constant 0 : i32
      %dma_wait3A_62 = tpu.memref_slice %arg6[%dma_wait3A_60, %dma_wait3A_61] : memref<256x128xf32, #tpu.memory_space<vmem>> -> memref<128x128xf32, #tpu.memory_space<vmem>>
      %dma_wait3A_63 = arith.constant 0 : i32
      %dma_wait3A_64 = tpu.memref_slice %arg5[%dma_wait3A_59, %dma_wait3A_63] : memref<2x128xi32, #tpu.memory_space<vmem>> -> memref<1x128xi32, #tpu.memory_space<vmem>>
      %dma_wait3A_65 = tpu.memref_squeeze %dma_wait3A_64 : memref<1x128xi32, #tpu.memory_space<vmem>> -> memref<128xi32, #tpu.memory_space<vmem>>
      %dma_wait3A_66 = arith.constant 0 : i32
      %dma_wait3A_67 = arith.constant 0 : i32
      %dma_wait3A_68 = tpu.memref_slice %arg3[%dma_wait3A_66, %dma_wait3A_67] : memref<100000x128xf32, #tpu.memory_space<hbm>> -> memref<100000x128xf32, #tpu.memory_space<hbm>>
      tpu.wait_indirect_dma semaphore(%arg9 : memref<!tpu.dma_semaphore, #tpu.memory_space<semaphore_mem>>) src(%dma_wait3A_68 : memref<100000x128xf32, #tpu.memory_space<hbm>>) dst(%dma_wait3A_62 : memref<128x128xf32, #tpu.memory_space<vmem>>)
      %dma_wait3A_69 = arith.constant 1 : i32
      %dma_wait3A_70 = arith.constant 128 : i32
      %dma_wait3A_71 = arith.constant 0 : i32
      %dma_wait3A_72 = tpu.memref_slice %arg6[%dma_wait3A_70, %dma_wait3A_71] : memref<256x128xf32, #tpu.memory_space<vmem>> -> memref<128x128xf32, #tpu.memory_space<vmem>>
      %dma_wait3A_73 = arith.constant 0 : i32
      %dma_wait3A_74 = tpu.memref_slice %arg5[%dma_wait3A_69, %dma_wait3A_73] : memref<2x128xi32, #tpu.memory_space<vmem>> -> memref<1x128xi32, #tpu.memory_space<vmem>>
      %dma_wait3A_75 = tpu.memref_squeeze %dma_wait3A_74 : memref<1x128xi32, #tpu.memory_space<vmem>> -> memref<128xi32, #tpu.memory_space<vmem>>
      %dma_wait3A_76 = arith.constant 0 : i32
      %dma_wait3A_77 = arith.constant 0 : i32
      %dma_wait3A_78 = tpu.memref_slice %arg3[%dma_wait3A_76, %dma_wait3A_77] : memref<100000x128xf32, #tpu.memory_space<hbm>> -> memref<100000x128xf32, #tpu.memory_space<hbm>>
      tpu.wait_indirect_dma semaphore(%arg9 : memref<!tpu.dma_semaphore, #tpu.memory_space<semaphore_mem>>) src(%dma_wait3A_78 : memref<100000x128xf32, #tpu.memory_space<hbm>>) dst(%dma_wait3A_72 : memref<128x128xf32, #tpu.memory_space<vmem>>)
      %mul3A_79 = arith.constant 256 : i32
      %mul3A_80 = arith.muli %add3A_28, %mul3A_79 : i32
      %add3A_81 = arith.addi %mul3A_2, %mul3A_80 : i32
      %dma_start3A_82 = arith.constant 0 : i32
      %dma_start3A_83 = tpu.memref_slice %arg4[%add3A_81, %dma_start3A_82] : memref<819200x128xf32, #tpu.memory_space<hbm>> -> memref<256x128xf32, #tpu.memory_space<hbm>>
      %dma_start3A_84 = arith.constant 0 : i32
      %dma_start3A_85 = tpu.memref_slice %arg4[%add3A_81, %dma_start3A_84] : memref<819200x128xf32, #tpu.memory_space<hbm>> -> memref<256x128xf32, #tpu.memory_space<hbm>>
      tpu.enqueue_dma source(%arg6 : memref<256x128xf32, #tpu.memory_space<vmem>>) target(%dma_start3A_85 : memref<256x128xf32, #tpu.memory_space<hbm>>) target_semaphore(%arg10 : memref<!tpu.dma_semaphore, #tpu.memory_space<semaphore_mem>>)
      %mul3A_86 = arith.constant 2 : i32
      %mul3A_87 = arith.muli %scan3A_24, %mul3A_86 : i32
      %add3A_88 = arith.constant 1 : i32
      %add3A_89 = arith.addi %mul3A_87, %add3A_88 : i32
      %dma_wait3A_90 = arith.constant 0 : i32
      %dma_wait3A_91 = tpu.memref_slice %arg2[%mul3A_4, %dma_wait3A_90] : memref<6400x128xi32, #tpu.memory_space<hbm>> -> memref<2x128xi32, #tpu.memory_space<hbm>>
      %dma_wait3A_92 = arith.constant 0 : i32
      %dma_wait3A_93 = tpu.memref_slice %arg2[%mul3A_4, %dma_wait3A_92] : memref<6400x128xi32, #tpu.memory_space<hbm>> -> memref<2x128xi32, #tpu.memory_space<hbm>>
      tpu.wait_dma2 semaphore(%arg13 : memref<!tpu.dma_semaphore, #tpu.memory_space<semaphore_mem>>) src(%dma_wait3A_93 : memref<2x128xi32, #tpu.memory_space<hbm>>) dst(%arg7 : memref<2x128xi32, #tpu.memory_space<vmem>>)
      %lt3A_94 = arith.constant 99 : i32
      %lt3A_95 = arith.cmpi slt, %add3A_89, %lt3A_94 : i32
      %convert_element_type3A_96 = arith.extui %lt3A_95 : i1 to i32
      %cond3A_97 = arith.constant 0 : i32
      %cond3A_98 = arith.cmpi ne, %convert_element_type3A_96, %cond3A_97 : i32
      scf.if %cond3A_98 {
        %add3A_151 = arith.constant 1 : i32
        %add3A_152 = arith.addi %add3A_89, %add3A_151 : i32
        %mul3A_153 = arith.constant 2 : i32
        %mul3A_154 = arith.muli %add3A_152, %mul3A_153 : i32
        %add3A_155 = arith.addi %mul3A_4, %mul3A_154 : i32
        %dma_start3A_156 = arith.constant 0 : i32
        %dma_start3A_157 = tpu.memref_slice %arg2[%add3A_155, %dma_start3A_156] : memref<6400x128xi32, #tpu.memory_space<hbm>> -> memref<2x128xi32, #tpu.memory_space<hbm>>
        %dma_start3A_158 = arith.constant 0 : i32
        %dma_start3A_159 = tpu.memref_slice %arg2[%add3A_155, %dma_start3A_158] : memref<6400x128xi32, #tpu.memory_space<hbm>> -> memref<2x128xi32, #tpu.memory_space<hbm>>
        tpu.enqueue_dma source(%dma_start3A_159 : memref<2x128xi32, #tpu.memory_space<hbm>>) target(%arg5 : memref<2x128xi32, #tpu.memory_space<vmem>>) target_semaphore(%arg12 : memref<!tpu.dma_semaphore, #tpu.memory_space<semaphore_mem>>)
      } else {
      }
      %ge3A_99 = arith.constant 1 : i32
      %ge3A_100 = arith.cmpi sge, %scan3A_24, %ge3A_99 : i32
      %convert_element_type3A_101 = arith.extui %ge3A_100 : i1 to i32
      %cond3A_102 = arith.constant 0 : i32
      %cond3A_103 = arith.cmpi ne, %convert_element_type3A_101, %cond3A_102 : i32
      scf.if %cond3A_103 {
        %mul3A_151 = arith.constant 256 : i32
        %mul3A_152 = arith.muli %add3A_89, %mul3A_151 : i32
        %add3A_153 = arith.addi %mul3A_2, %mul3A_152 : i32
        %dma_wait3A_154 = arith.constant 0 : i32
        %dma_wait3A_155 = tpu.memref_slice %arg4[%add3A_153, %dma_wait3A_154] : memref<819200x128xf32, #tpu.memory_space<hbm>> -> memref<256x128xf32, #tpu.memory_space<hbm>>
        %dma_wait3A_156 = arith.constant 0 : i32
        %dma_wait3A_157 = tpu.memref_slice %arg4[%add3A_153, %dma_wait3A_156] : memref<819200x128xf32, #tpu.memory_space<hbm>> -> memref<256x128xf32, #tpu.memory_space<hbm>>
        tpu.wait_dma2 semaphore(%arg11 : memref<!tpu.dma_semaphore, #tpu.memory_space<semaphore_mem>>) src(%arg8 : memref<256x128xf32, #tpu.memory_space<vmem>>) dst(%dma_wait3A_157 : memref<256x128xf32, #tpu.memory_space<hbm>>)
      } else {
      }
      %dma_start3A_104 = arith.constant 0 : i32
      %dma_start3A_105 = arith.constant 0 : i32
      %dma_start3A_106 = arith.constant 0 : i32
      %dma_start3A_107 = tpu.memref_slice %arg8[%dma_start3A_105, %dma_start3A_106] : memref<256x128xf32, #tpu.memory_space<vmem>> -> memref<128x128xf32, #tpu.memory_space<vmem>>
      %dma_start3A_108 = arith.constant 0 : i32
      %dma_start3A_109 = tpu.memref_slice %arg7[%dma_start3A_104, %dma_start3A_108] : memref<2x128xi32, #tpu.memory_space<vmem>> -> memref<1x128xi32, #tpu.memory_space<vmem>>
      %dma_start3A_110 = tpu.memref_squeeze %dma_start3A_109 : memref<1x128xi32, #tpu.memory_space<vmem>> -> memref<128xi32, #tpu.memory_space<vmem>>
      %dma_start3A_111 = arith.constant 0 : i32
      %dma_start3A_112 = arith.constant 0 : i32
      %dma_start3A_113 = tpu.memref_slice %arg3[%dma_start3A_111, %dma_start3A_112] : memref<100000x128xf32, #tpu.memory_space<hbm>> -> memref<100000x128xf32, #tpu.memory_space<hbm>>
      tpu.enqueue_indirect_dma source(%dma_start3A_113 : memref<100000x128xf32, #tpu.memory_space<hbm>>) target(%dma_start3A_107 : memref<128x128xf32, #tpu.memory_space<vmem>>) offsets(%dma_start3A_110 : memref<128xi32, #tpu.memory_space<vmem>>) semaphore(%arg9 : memref<!tpu.dma_semaphore, #tpu.memory_space<semaphore_mem>>)
      %dma_start3A_114 = arith.constant 1 : i32
      %dma_start3A_115 = arith.constant 128 : i32
      %dma_start3A_116 = arith.constant 0 : i32
      %dma_start3A_117 = tpu.memref_slice %arg8[%dma_start3A_115, %dma_start3A_116] : memref<256x128xf32, #tpu.memory_space<vmem>> -> memref<128x128xf32, #tpu.memory_space<vmem>>
      %dma_start3A_118 = arith.constant 0 : i32
      %dma_start3A_119 = tpu.memref_slice %arg7[%dma_start3A_114, %dma_start3A_118] : memref<2x128xi32, #tpu.memory_space<vmem>> -> memref<1x128xi32, #tpu.memory_space<vmem>>
      %dma_start3A_120 = tpu.memref_squeeze %dma_start3A_119 : memref<1x128xi32, #tpu.memory_space<vmem>> -> memref<128xi32, #tpu.memory_space<vmem>>
      %dma_start3A_121 = arith.constant 0 : i32
      %dma_start3A_122 = arith.constant 0 : i32
      %dma_start3A_123 = tpu.memref_slice %arg3[%dma_start3A_121, %dma_start3A_122] : memref<100000x128xf32, #tpu.memory_space<hbm>> -> memref<100000x128xf32, #tpu.memory_space<hbm>>
      tpu.enqueue_indirect_dma source(%dma_start3A_123 : memref<100000x128xf32, #tpu.memory_space<hbm>>) target(%dma_start3A_117 : memref<128x128xf32, #tpu.memory_space<vmem>>) offsets(%dma_start3A_120 : memref<128xi32, #tpu.memory_space<vmem>>) semaphore(%arg9 : memref<!tpu.dma_semaphore, #tpu.memory_space<semaphore_mem>>)
      %dma_wait3A_124 = arith.constant 0 : i32
      %dma_wait3A_125 = arith.constant 0 : i32
      %dma_wait3A_126 = arith.constant 0 : i32
      %dma_wait3A_127 = tpu.memref_slice %arg8[%dma_wait3A_125, %dma_wait3A_126] : memref<256x128xf32, #tpu.memory_space<vmem>> -> memref<128x128xf32, #tpu.memory_space<vmem>>
      %dma_wait3A_128 = arith.constant 0 : i32
      %dma_wait3A_129 = tpu.memref_slice %arg7[%dma_wait3A_124, %dma_wait3A_128] : memref<2x128xi32, #tpu.memory_space<vmem>> -> memref<1x128xi32, #tpu.memory_space<vmem>>
      %dma_wait3A_130 = tpu.memref_squeeze %dma_wait3A_129 : memref<1x128xi32, #tpu.memory_space<vmem>> -> memref<128xi32, #tpu.memory_space<vmem>>
      %dma_wait3A_131 = arith.constant 0 : i32
      %dma_wait3A_132 = arith.constant 0 : i32
      %dma_wait3A_133 = tpu.memref_slice %arg3[%dma_wait3A_131, %dma_wait3A_132] : memref<100000x128xf32, #tpu.memory_space<hbm>> -> memref<100000x128xf32, #tpu.memory_space<hbm>>
      tpu.wait_indirect_dma semaphore(%arg9 : memref<!tpu.dma_semaphore, #tpu.memory_space<semaphore_mem>>) src(%dma_wait3A_133 : memref<100000x128xf32, #tpu.memory_space<hbm>>) dst(%dma_wait3A_127 : memref<128x128xf32, #tpu.memory_space<vmem>>)
      %dma_wait3A_134 = arith.constant 1 : i32
      %dma_wait3A_135 = arith.constant 128 : i32
      %dma_wait3A_136 = arith.constant 0 : i32
      %dma_wait3A_137 = tpu.memref_slice %arg8[%dma_wait3A_135, %dma_wait3A_136] : memref<256x128xf32, #tpu.memory_space<vmem>> -> memref<128x128xf32, #tpu.memory_space<vmem>>
      %dma_wait3A_138 = arith.constant 0 : i32
      %dma_wait3A_139 = tpu.memref_slice %arg7[%dma_wait3A_134, %dma_wait3A_138] : memref<2x128xi32, #tpu.memory_space<vmem>> -> memref<1x128xi32, #tpu.memory_space<vmem>>
      %dma_wait3A_140 = tpu.memref_squeeze %dma_wait3A_139 : memref<1x128xi32, #tpu.memory_space<vmem>> -> memref<128xi32, #tpu.memory_space<vmem>>
      %dma_wait3A_141 = arith.constant 0 : i32
      %dma_wait3A_142 = arith.constant 0 : i32
      %dma_wait3A_143 = tpu.memref_slice %arg3[%dma_wait3A_141, %dma_wait3A_142] : memref<100000x128xf32, #tpu.memory_space<hbm>> -> memref<100000x128xf32, #tpu.memory_space<hbm>>
      tpu.wait_indirect_dma semaphore(%arg9 : memref<!tpu.dma_semaphore, #tpu.memory_space<semaphore_mem>>) src(%dma_wait3A_143 : memref<100000x128xf32, #tpu.memory_space<hbm>>) dst(%dma_wait3A_137 : memref<128x128xf32, #tpu.memory_space<vmem>>)
      %mul3A_144 = arith.constant 256 : i32
      %mul3A_145 = arith.muli %add3A_89, %mul3A_144 : i32
      %add3A_146 = arith.addi %mul3A_2, %mul3A_145 : i32
      %dma_start3A_147 = arith.constant 0 : i32
      %dma_start3A_148 = tpu.memref_slice %arg4[%add3A_146, %dma_start3A_147] : memref<819200x128xf32, #tpu.memory_space<hbm>> -> memref<256x128xf32, #tpu.memory_space<hbm>>
      %dma_start3A_149 = arith.constant 0 : i32
      %dma_start3A_150 = tpu.memref_slice %arg4[%add3A_146, %dma_start3A_149] : memref<819200x128xf32, #tpu.memory_space<hbm>> -> memref<256x128xf32, #tpu.memory_space<hbm>>
      tpu.enqueue_dma source(%arg8 : memref<256x128xf32, #tpu.memory_space<vmem>>) target(%dma_start3A_150 : memref<256x128xf32, #tpu.memory_space<hbm>>) target_semaphore(%arg11 : memref<!tpu.dma_semaphore, #tpu.memory_space<semaphore_mem>>)
    }
    %scan3A_12 = arith.constant 50 : i32
    %add3A_13 = arith.constant 25088 : i32
    %add3A_14 = arith.addi %mul3A_2, %add3A_13 : i32
    %dma_wait3A = arith.constant 0 : i32
    %dma_wait3A_15 = tpu.memref_slice %arg4[%add3A_14, %dma_wait3A] : memref<819200x128xf32, #tpu.memory_space<hbm>> -> memref<256x128xf32, #tpu.memory_space<hbm>>
    %dma_wait3A_16 = arith.constant 0 : i32
    %dma_wait3A_17 = tpu.memref_slice %arg4[%add3A_14, %dma_wait3A_16] : memref<819200x128xf32, #tpu.memory_space<hbm>> -> memref<256x128xf32, #tpu.memory_space<hbm>>
    tpu.wait_dma2 semaphore(%arg10 : memref<!tpu.dma_semaphore, #tpu.memory_space<semaphore_mem>>) src(%arg6 : memref<256x128xf32, #tpu.memory_space<vmem>>) dst(%dma_wait3A_17 : memref<256x128xf32, #tpu.memory_space<hbm>>)
    %add3A_18 = arith.constant 25344 : i32
    %add3A_19 = arith.addi %mul3A_2, %add3A_18 : i32
    %dma_wait3A_20 = arith.constant 0 : i32
    %dma_wait3A_21 = tpu.memref_slice %arg4[%add3A_19, %dma_wait3A_20] : memref<819200x128xf32, #tpu.memory_space<hbm>> -> memref<256x128xf32, #tpu.memory_space<hbm>>
    %dma_wait3A_22 = arith.constant 0 : i32
    %dma_wait3A_23 = tpu.memref_slice %arg4[%add3A_19, %dma_wait3A_22] : memref<819200x128xf32, #tpu.memory_space<hbm>> -> memref<256x128xf32, #tpu.memory_space<hbm>>
    tpu.wait_dma2 semaphore(%arg11 : memref<!tpu.dma_semaphore, #tpu.memory_space<semaphore_mem>>) src(%arg8 : memref<256x128xf32, #tpu.memory_space<vmem>>) dst(%dma_wait3A_23 : memref<256x128xf32, #tpu.memory_space<hbm>>)
    return
  }
}

module attributes {stable_mosaic.version = 14 : i64} {
  func.func @_tc_body(%arg0: i32, %arg1: memref<1024x128xf32, #tpu.memory_space<vmem>>, %arg2: memref<1x1024xi32, #tpu.memory_space<vmem>>, %arg3: memref<1x1024xi32, #tpu.memory_space<vmem>>, %arg4: memref<8x3xf32, #tpu.memory_space<vmem>>, %arg5: memref<8x3xf32, #tpu.memory_space<vmem>>, %arg6: memref<1024x144xf32, #tpu.memory_space<vmem>>) attributes {dimension_semantics = [#tpu.dimension_semantics<arbitrary>], iteration_bounds = array<i64: 800>, scalar_prefetch = 0 : i64, scratch_operands = 0 : i64, tpu.core_type = #tpu.core_type<tc>, window_params = [{transform_indices = @transform_0, window_bounds = array<i64: 1024, 128>}, {transform_indices = @transform_1, window_bounds = array<i64: 1, 1024>}, {transform_indices = @transform_2, window_bounds = array<i64: 1, 1024>}, {pipeline_mode = #tpu.pipeline_mode<synchronous>, transform_indices = @transform_3, window_bounds = array<i64: 8, 3>}, {pipeline_mode = #tpu.pipeline_mode<synchronous>, transform_indices = @transform_4, window_bounds = array<i64: 8, 3>}, {transform_indices = @transform_5, window_bounds = array<i64: 1024, 144>}]} {
    %get3A = arith.constant 0 : index
    %get3A_0 = arith.constant 0 : index
    %get3A_1 = vector.load %arg2[%get3A, %get3A_0] : memref<1x1024xi32, #tpu.memory_space<vmem>>, vector<1x1024xi32>
    %get3A_2 = arith.constant 0 : index
    %get3A_3 = arith.constant 0 : index
    %get3A_4 = vector.load %arg3[%get3A_2, %get3A_3] : memref<1x1024xi32, #tpu.memory_space<vmem>>, vector<1x1024xi32>
    %get3A_5 = arith.constant 0 : index
    %get3A_6 = arith.constant 0 : index
    %get3A_7 = vector.load %arg4[%get3A_5, %get3A_6] : memref<8x3xf32, #tpu.memory_space<vmem>>, vector<8x3xf32>
    %get3A_8 = arith.constant 0 : index
    %get3A_9 = arith.constant 0 : index
    %get3A_10 = vector.load %arg5[%get3A_8, %get3A_9] : memref<8x3xf32, #tpu.memory_space<vmem>>, vector<8x3xf32>
    %broadcast_in_dim3A = arith.constant 0.000000e+00 : f32
    %broadcast_in_dim3A_11 = vector.broadcast %broadcast_in_dim3A : f32 to vector<8x1024xf32>
    %broadcast_in_dim3A_12 = arith.constant 0.000000e+00 : f32
    %broadcast_in_dim3A_13 = vector.broadcast %broadcast_in_dim3A_12 : f32 to vector<8x1024xf32>
    %eq3A = arith.constant 0 : i32
    %eq3A_14 = vector.broadcast %eq3A : i32 to vector<1x1024xi32>
    %eq3A_15 = arith.cmpi eq, %get3A_1, %eq3A_14 : vector<1x1024xi32>
    %slice3A = vector.extract_strided_slice %get3A_7 {offsets = [0, 0], sizes = [8, 1], strides = [1, 1]} : vector<8x3xf32> to vector<8x1xf32>
    %jit3A = arith.constant 0.000000e+00 : f32
    %broadcast_in_dim3A_16 = vector.shape_cast %eq3A_15 : vector<1x1024xi1> to vector<1x1024xi1>
    %broadcast_in_dim3A_17 = vector.broadcast %broadcast_in_dim3A_16 : vector<1x1024xi1> to vector<8x1024xi1>
    %broadcast_in_dim3A_18 = vector.shape_cast %slice3A : vector<8x1xf32> to vector<8x1xf32>
    %broadcast_in_dim3A_19 = vector.broadcast %broadcast_in_dim3A_18 : vector<8x1xf32> to vector<8x1024xf32>
    %broadcast_in_dim3A_20 = vector.broadcast %jit3A : f32 to vector<8x1024xf32>
    %select_n3A = arith.select %broadcast_in_dim3A_17, %broadcast_in_dim3A_19, %broadcast_in_dim3A_20 : vector<8x1024xi1>, vector<8x1024xf32>
    %add3A = arith.addf %broadcast_in_dim3A_11, %select_n3A : vector<8x1024xf32>
    %eq3A_21 = arith.constant 0 : i32
    %eq3A_22 = vector.broadcast %eq3A_21 : i32 to vector<1x1024xi32>
    %eq3A_23 = arith.cmpi eq, %get3A_4, %eq3A_22 : vector<1x1024xi32>
    %slice3A_24 = vector.extract_strided_slice %get3A_10 {offsets = [0, 0], sizes = [8, 1], strides = [1, 1]} : vector<8x3xf32> to vector<8x1xf32>
    %jit3A_25 = arith.constant 0.000000e+00 : f32
    %broadcast_in_dim3A_26 = vector.shape_cast %eq3A_23 : vector<1x1024xi1> to vector<1x1024xi1>
    %broadcast_in_dim3A_27 = vector.broadcast %broadcast_in_dim3A_26 : vector<1x1024xi1> to vector<8x1024xi1>
    %broadcast_in_dim3A_28 = vector.shape_cast %slice3A_24 : vector<8x1xf32> to vector<8x1xf32>
    %broadcast_in_dim3A_29 = vector.broadcast %broadcast_in_dim3A_28 : vector<8x1xf32> to vector<8x1024xf32>
    %broadcast_in_dim3A_30 = vector.broadcast %jit3A_25 : f32 to vector<8x1024xf32>
    %select_n3A_31 = arith.select %broadcast_in_dim3A_27, %broadcast_in_dim3A_29, %broadcast_in_dim3A_30 : vector<8x1024xi1>, vector<8x1024xf32>
    %add3A_32 = arith.addf %broadcast_in_dim3A_13, %select_n3A_31 : vector<8x1024xf32>
    %eq3A_33 = arith.constant 1 : i32
    %eq3A_34 = vector.broadcast %eq3A_33 : i32 to vector<1x1024xi32>
    %eq3A_35 = arith.cmpi eq, %get3A_1, %eq3A_34 : vector<1x1024xi32>
    %slice3A_36 = vector.extract_strided_slice %get3A_7 {offsets = [0, 1], sizes = [8, 1], strides = [1, 1]} : vector<8x3xf32> to vector<8x1xf32>
    %jit3A_37 = arith.constant 0.000000e+00 : f32
    %broadcast_in_dim3A_38 = vector.shape_cast %eq3A_35 : vector<1x1024xi1> to vector<1x1024xi1>
    %broadcast_in_dim3A_39 = vector.broadcast %broadcast_in_dim3A_38 : vector<1x1024xi1> to vector<8x1024xi1>
    %broadcast_in_dim3A_40 = vector.shape_cast %slice3A_36 : vector<8x1xf32> to vector<8x1xf32>
    %broadcast_in_dim3A_41 = vector.broadcast %broadcast_in_dim3A_40 : vector<8x1xf32> to vector<8x1024xf32>
    %broadcast_in_dim3A_42 = vector.broadcast %jit3A_37 : f32 to vector<8x1024xf32>
    %select_n3A_43 = arith.select %broadcast_in_dim3A_39, %broadcast_in_dim3A_41, %broadcast_in_dim3A_42 : vector<8x1024xi1>, vector<8x1024xf32>
    %add3A_44 = arith.addf %add3A, %select_n3A_43 : vector<8x1024xf32>
    %eq3A_45 = arith.constant 1 : i32
    %eq3A_46 = vector.broadcast %eq3A_45 : i32 to vector<1x1024xi32>
    %eq3A_47 = arith.cmpi eq, %get3A_4, %eq3A_46 : vector<1x1024xi32>
    %slice3A_48 = vector.extract_strided_slice %get3A_10 {offsets = [0, 1], sizes = [8, 1], strides = [1, 1]} : vector<8x3xf32> to vector<8x1xf32>
    %jit3A_49 = arith.constant 0.000000e+00 : f32
    %broadcast_in_dim3A_50 = vector.shape_cast %eq3A_47 : vector<1x1024xi1> to vector<1x1024xi1>
    %broadcast_in_dim3A_51 = vector.broadcast %broadcast_in_dim3A_50 : vector<1x1024xi1> to vector<8x1024xi1>
    %broadcast_in_dim3A_52 = vector.shape_cast %slice3A_48 : vector<8x1xf32> to vector<8x1xf32>
    %broadcast_in_dim3A_53 = vector.broadcast %broadcast_in_dim3A_52 : vector<8x1xf32> to vector<8x1024xf32>
    %broadcast_in_dim3A_54 = vector.broadcast %jit3A_49 : f32 to vector<8x1024xf32>
    %select_n3A_55 = arith.select %broadcast_in_dim3A_51, %broadcast_in_dim3A_53, %broadcast_in_dim3A_54 : vector<8x1024xi1>, vector<8x1024xf32>
    %add3A_56 = arith.addf %add3A_32, %select_n3A_55 : vector<8x1024xf32>
    %eq3A_57 = arith.constant 2 : i32
    %eq3A_58 = vector.broadcast %eq3A_57 : i32 to vector<1x1024xi32>
    %eq3A_59 = arith.cmpi eq, %get3A_1, %eq3A_58 : vector<1x1024xi32>
    %slice3A_60 = vector.extract_strided_slice %get3A_7 {offsets = [0, 2], sizes = [8, 1], strides = [1, 1]} : vector<8x3xf32> to vector<8x1xf32>
    %jit3A_61 = arith.constant 0.000000e+00 : f32
    %broadcast_in_dim3A_62 = vector.shape_cast %eq3A_59 : vector<1x1024xi1> to vector<1x1024xi1>
    %broadcast_in_dim3A_63 = vector.broadcast %broadcast_in_dim3A_62 : vector<1x1024xi1> to vector<8x1024xi1>
    %broadcast_in_dim3A_64 = vector.shape_cast %slice3A_60 : vector<8x1xf32> to vector<8x1xf32>
    %broadcast_in_dim3A_65 = vector.broadcast %broadcast_in_dim3A_64 : vector<8x1xf32> to vector<8x1024xf32>
    %broadcast_in_dim3A_66 = vector.broadcast %jit3A_61 : f32 to vector<8x1024xf32>
    %select_n3A_67 = arith.select %broadcast_in_dim3A_63, %broadcast_in_dim3A_65, %broadcast_in_dim3A_66 : vector<8x1024xi1>, vector<8x1024xf32>
    %add3A_68 = arith.addf %add3A_44, %select_n3A_67 : vector<8x1024xf32>
    %eq3A_69 = arith.constant 2 : i32
    %eq3A_70 = vector.broadcast %eq3A_69 : i32 to vector<1x1024xi32>
    %eq3A_71 = arith.cmpi eq, %get3A_4, %eq3A_70 : vector<1x1024xi32>
    %slice3A_72 = vector.extract_strided_slice %get3A_10 {offsets = [0, 2], sizes = [8, 1], strides = [1, 1]} : vector<8x3xf32> to vector<8x1xf32>
    %jit3A_73 = arith.constant 0.000000e+00 : f32
    %broadcast_in_dim3A_74 = vector.shape_cast %eq3A_71 : vector<1x1024xi1> to vector<1x1024xi1>
    %broadcast_in_dim3A_75 = vector.broadcast %broadcast_in_dim3A_74 : vector<1x1024xi1> to vector<8x1024xi1>
    %broadcast_in_dim3A_76 = vector.shape_cast %slice3A_72 : vector<8x1xf32> to vector<8x1xf32>
    %broadcast_in_dim3A_77 = vector.broadcast %broadcast_in_dim3A_76 : vector<8x1xf32> to vector<8x1024xf32>
    %broadcast_in_dim3A_78 = vector.broadcast %jit3A_73 : f32 to vector<8x1024xf32>
    %select_n3A_79 = arith.select %broadcast_in_dim3A_75, %broadcast_in_dim3A_77, %broadcast_in_dim3A_78 : vector<8x1024xi1>, vector<8x1024xf32>
    %add3A_80 = arith.addf %add3A_56, %select_n3A_79 : vector<8x1024xf32>
    %concatenate3A = tpu.concatenate %add3A_68, %add3A_80 in 0 : vector<8x1024xf32>, vector<8x1024xf32> -> vector<16x1024xf32>
    %transpose3A = tpu.transpose %concatenate3A, [1, 0] : vector<16x1024xf32> -> vector<1024x16xf32>
    %get3A_81 = arith.constant 0 : index
    %get3A_82 = arith.constant 0 : index
    %get3A_83 = vector.load %arg1[%get3A_81, %get3A_82] : memref<1024x128xf32, #tpu.memory_space<vmem>>, vector<1024x128xf32>
    %concatenate3A_84 = tpu.concatenate %get3A_83, %transpose3A in 1 : vector<1024x128xf32>, vector<1024x16xf32> -> vector<1024x144xf32>
    %swap3A = arith.constant 0 : index
    %swap3A_85 = arith.constant 0 : index
    %swap3A_86 = vector.load %arg6[%swap3A, %swap3A_85] : memref<1024x144xf32, #tpu.memory_space<vmem>>, vector<1024x144xf32>
    tpu.vector_store %arg6[%swap3A, %swap3A_85], %concatenate3A_84 {strides = array<i32>} : memref<1024x144xf32, #tpu.memory_space<vmem>>, vector<1024x144xf32>,
    return
  }
  func.func @transform_0(%arg0: i32) -> (i32, i32) {
    %c0_i32 = arith.constant 0 : i32
    %c0_i32_0 = arith.constant 0 : i32
    return %arg0, %c0_i32 : i32, i32
  }
  func.func @transform_1(%arg0: i32) -> (i32, i32) {
    %c0_i32 = arith.constant 0 : i32
    %c0_i32_0 = arith.constant 0 : i32
    return %c0_i32, %arg0 : i32, i32
  }
  func.func @transform_2(%arg0: i32) -> (i32, i32) {
    %c0_i32 = arith.constant 0 : i32
    %c0_i32_0 = arith.constant 0 : i32
    return %c0_i32, %arg0 : i32, i32
  }
  func.func @transform_3(%arg0: i32) -> (i32, i32) {
    %c0_i32 = arith.constant 0 : i32
    %c0_i32_0 = arith.constant 0 : i32
    %c0_i32_1 = arith.constant 0 : i32
    return %c0_i32, %c0_i32_0 : i32, i32
  }
  func.func @transform_4(%arg0: i32) -> (i32, i32) {
    %c0_i32 = arith.constant 0 : i32
    %c0_i32_0 = arith.constant 0 : i32
    %c0_i32_1 = arith.constant 0 : i32
    return %c0_i32, %c0_i32_0 : i32, i32
  }
  func.func @transform_5(%arg0: i32) -> (i32, i32) {
    %c0_i32 = arith.constant 0 : i32
    %c0_i32_0 = arith.constant 0 : i32
    return %arg0, %c0_i32 : i32, i32
  }
}

</mosaic_0001>

<sc_bundles>
// kernel: _run.4.cloned.1.call-start
scs
__scs_entry_jumppad:
0x0: {  	(pc) =	sbr.rel $0x88, $3  }
0x1: {  	(tag) =	ssettag $0x0;
	lr =	simm.s32 $0x1  }
0x2: {  	[smem:$0x3F9B] =	sst lr;
	_ =	strace $0xD0000000  }
0x3: {  	_ = 	snop  }
0x4: {  	_ = 	snop  }
0x5: {  	_ = 	snop  }
0x6: {  	_ = 	snop  }
0x7: {  	_ = 	snop  }
__scs_overlays_trampoline_lowered:
0x8: {  	[smem:$0x3FAA] =	sst s0  }
0x9: {  	[smem:$0x3FAB] =	sst s1  }
0xa: {  	[smem:$0x3FAC] =	sst s2  }
0xb: {  	[smem:$0x3FAD] =	sst s3  }
0xc: {  	[smem:$0x3FAE] =	sst s4  }
0xd: {  	[smem:$0x3FAF] =	sst s5  }
0xe: {  	[smem:$0x3FB0] =	sst s6  }
0xf: {  	[smem:$0x3FB1] =	sst s7  }
0x10: {  	[smem:$0x3FB2] =	sst s8  }
0x11: {  	[smem:$0x3FB3] =	sst s9;
	s0 =	simm.s32 @!p0 $0x0  }
0x12: {  	s1 =	sld [smem:$0x3F99];
	s0 =	simm.s32 @p0 $0x1  }
0x13: {  	[smem:$0x3FB4] =	sst s0;
	s0 =	simm.s32 @!p1 $0x0  }
0x14: {  	s2 =	sld [smem:$0x3F98];
	s0 =	simm.s32 @p1 $0x1  }
0x15: {  	[smem:$0x3FB5] =	sst s0;
	s0 =	simm.s32 @!p2 $0x0  }
0x16: {  	s3 =	sld [smem:$0x3FDB];
	s0 =	simm.s32 @p2 $0x1  }
0x17: {  	s4 =	simm.s32 $0x1BF5;
	[smem:$0x3FB7] =	sst s0  }
0x18: {  	s0 =	sld [smem:$0x3F9A];
	_ =	swait.ge [sflag:s4], $0x0  }
0x19: {  	s7 =	sld [smem:$0x3F9B]  }
0x1a: {  	s8 =	sadd.s32 $0xFFFFE003, lr  }
0x1b: {  	s9 =	sadd.s32 $0xFFFFFEF7, lr;
	s5 =	simm.s32 $0xFFFFFFFF;
	p2 =	slt.u32 s8, $0xFFFFF086  }
0x1c: {  	p1 =	slt.u32 s9, $0xF7A;
	s5 =	simm.s32 @!p2 $0x0  }
0x1d: {  	s5 =	simm.s32 @p1 $0x1;
	p0 =	seq.s32 s7, s2  }
0x1e: {  	s7 =	smul.u32 @!p0 $0xF7A, s2;
	p2 =	seq.s32 @!p0 s5, $0x0  }
0x1f: {  	s9 =	smul.u32 $0xF7A, s1;
	s8 =	simm.s32 @!p0 $0x1BF5;
	p2 =	por !p2, p0  }
0x20: {  	[sflag:s8] =	ssyncset.s32 @!p0 $0xFFFFF086;
	s6 =	sadd.s32 @!p0 s3, s7;
	s7 =	simm.s32 @!p0 $0x108  }
0x21: {  	s3 =	sadd.s32 s3, s9;
	s6 =	sadd.s32 @!p0 $0x88, s6;
	s7 =	simm.s32 @p2 $0x1082  }
0x22: {  	[simem:s7], [sflag:s8] =	dma.local @!p0 [hbm:s6], $0xF7A  }
0x23: {  	s9 =	sor.u32 $0xD0000000, s2;
	s6 =	simm.s32 $0x108;
	_ =	swait.ge @!p0 [sflag:s8], $0x0  }
0x24: {  	s3 =	sadd.s32 $0x88, s3;
	s6 =	simm.s32 @!p1 $0x1082;
	[sflag:s4] =	ssyncset.s32 $0xFFFFF086  }
0x25: {  	[simem:s6], [sflag:s4] =	dma.local [hbm:s3], $0xF7A  }
0x26: {  	[smem:$0x3F9B] =	sst s1;
	(tag) =	ssettag s2;
	_ =	strace s9  }
0x27: {  	s1 =	sld [smem:$0x3FAB]  }
0x28: {  	s2 =	sld [smem:$0x3FAC]  }
0x29: {  	s4 =	sld [smem:$0x3FAE]  }
0x2a: {  	p0 =	seq.s32 s5, $0x0;
	s5 =	sld [smem:$0x3FAF]  }
0x2b: {  	s6 =	sld [smem:$0x3FB0]  }
0x2c: {  	s7 =	sld [smem:$0x3FB1]  }
0x2d: {  	s3 =	simm.s32 $0x108;
	s8 =	sld [smem:$0x3FB2]  }
0x2e: {  	s3 =	simm.s32 @!p0 $0x1082;
	s9 =	sld [smem:$0x3FB3]  }
0x2f: {  	lr =	sadd.s32 s0, s3;
	s0 =	sld [smem:$0x3FAA]  }
0x30: {  	s3 =	sld [smem:$0x3FAD]  }
0x31: {  	[smem:$0x3FB6] =	sst s10  }
0x32: {  	s10 =	sld [smem:$0x3FB4];
	_ =	sdelay $0x3  }
0x33: {  	p0 =	seq.s32 s10, $0x1;
	s10 =	sld [smem:$0x3FB6];
	_ =	sdelay $0x3  }
0x34: {  	[smem:$0x3FB6] =	sst s10  }
0x35: {  	s10 =	sld [smem:$0x3FB5];
	_ =	sdelay $0x3  }
0x36: {  	p1 =	seq.s32 s10, $0x1;
	s10 =	sld [smem:$0x3FB6];
	_ =	sdelay $0x3  }
0x37: {  	[smem:$0x3FB6] =	sst s10  }
0x38: {  	s10 =	sld [smem:$0x3FB7]  }
0x39: {  	_ = 	snop;
	(pc) =	sbr.ind lr, $3  }
0x3a: {  	_ = 	snop  }
0x3b: {  	_ = 	snop  }
0x3c: {  	p2 =	seq.s32 s10, $0x1;
	s10 =	sld [smem:$0x3FB6]  }
0x3d: {  	_ =	shalt  }
0x3e: {  	_ =	shalt  }
0x3f: {  	_ =	shalt  }
0x40: {  	_ =	shalt  }
0x41: {  	_ =	shalt  }
0x42: {  	_ =	shalt  }
0x43: {  	_ =	shalt  }
0x44: {  	_ =	shalt  }
0x45: {  	_ =	shalt  }
0x46: {  	_ =	shalt  }
0x47: {  	_ =	shalt  }
0x48: {  	_ =	shalt  }
0x49: {  	_ =	shalt  }
0x4a: {  	_ =	shalt  }
0x4b: {  	_ =	shalt  }
0x4c: {  	_ =	shalt  }
0x4d: {  	_ =	shalt  }
0x4e: {  	_ =	shalt  }
0x4f: {  	_ =	shalt  }
0x50: {  	_ =	shalt  }
0x51: {  	_ =	shalt  }
0x52: {  	_ =	shalt  }
0x53: {  	_ =	shalt  }
0x54: {  	_ =	shalt  }
0x55: {  	_ =	shalt  }
0x56: {  	_ =	shalt  }
0x57: {  	_ =	shalt  }
0x58: {  	_ =	shalt  }
0x59: {  	_ =	shalt  }
0x5a: {  	_ =	shalt  }
0x5b: {  	_ =	shalt  }
0x5c: {  	_ =	shalt  }
0x5d: {  	_ =	shalt  }
0x5e: {  	_ =	shalt  }
0x5f: {  	_ =	shalt  }
0x60: {  	_ =	shalt  }
0x61: {  	_ =	shalt  }
0x62: {  	_ =	shalt  }
0x63: {  	_ =	shalt  }
0x64: {  	_ =	shalt  }
0x65: {  	_ =	shalt  }
0x66: {  	_ =	shalt  }
0x67: {  	_ =	shalt  }
0x68: {  	_ =	shalt  }
0x69: {  	_ =	shalt  }
0x6a: {  	_ =	shalt  }
0x6b: {  	_ =	shalt  }
0x6c: {  	_ =	shalt  }
0x6d: {  	_ =	shalt  }
0x6e: {  	_ =	shalt  }
0x6f: {  	_ =	shalt  }
0x70: {  	_ =	shalt  }
0x71: {  	_ =	shalt  }
0x72: {  	_ =	shalt  }
0x73: {  	_ =	shalt  }
0x74: {  	_ =	shalt  }
0x75: {  	_ =	shalt  }
0x76: {  	_ =	shalt  }
0x77: {  	_ =	shalt  }
0x78: {  	_ =	shalt  }
0x79: {  	_ =	shalt  }
0x7a: {  	_ =	shalt  }
0x7b: {  	_ =	shalt  }
0x7c: {  	_ =	shalt  }
0x7d: {  	_ =	shalt  }
0x7e: {  	_ =	shalt  }
0x7f: {  	_ =	shalt  }
0x80: {  	_ =	shalt  }
0x81: {  	_ =	shalt  }
0x82: {  	_ =	shalt  }
0x83: {  	_ =	shalt  }
0x84: {  	_ =	shalt  }
0x85: {  	_ =	shalt  }
0x86: {  	_ =	shalt  }
0x87: {  	_ =	shalt  }
.Lfunc_end0:
.L_simem_size_0:
called_computation_lowered:
.L_overlay_start_0:
0x88: {  	s2 =	sld [smem:$0x3FD9]  }
0x89: {  	s3 =	sld [smem:$0x3FFE];
	_ =	sdelay $0x1  }
0x8a: {  	s1 =	srdreg.scid  }
0x8b: {  	s0 =	sand.u32 $0x1, s1  }
0x8c: {  	s18 =	sshll.u32 s0, $0xA;
	s2 =	sadd.s32 s3, s2  }
0x8d: {  	s2 =	sadd.s32 s2, s18  }
0x8e: {  	[smem:$0x3FC2] =	sst s2  }
0x8f: {  	_ = 	snop  }
0x90: {  	s2 =	sld [smem:$0x3FC9]  }
0x91: {  	s19 =	sld [smem:$0x3FC6]  }
0x92: {  	s4 =	sld [smem:$0x3FD0];
	(tm) =	ssettm $0x1  }
0x93: {  	s5 =	sld [smem:$0x3FFB];
	_ =	sdelay $0x3  }
0x94: {  	_ =	strace s5  }
0x95: {  	s5 =	sld [smem:$0x3FFC];
	_ =	sdelay $0x3  }
0x96: {  	_ =	strace s5  }
0x97: {  	s5 =	sld [smem:$0x3FFD];
	_ =	sdelay $0x3  }
0x98: {  	_ =	strace s5  }
0x99: {  	_ =	strace $0x8FFFFFFF  }
0x9a: {  	s20 =	sld [smem:$0x3FDB];
	_ =	sdelay $0x1  }
0x9b: {  	s6 =	simm.s32 $_scs_section_size  }
0x9c: {  	s7 =	simm.s32 $_size__tile_overlayer_lowered;
	s8 =	simm.s32 $_tile_overlayer_lowered  }
0x9d: {  	s23 =	simm.s32 $0x1BFF;
	s22 =	sshll.u32 s8, $0x1;
	s5 =	sadd.s32 s6, s20  }
0x9e: {  	s9 =	simm.s32 $0x0;
	s21 =	sshll.u32 s7, $0x1;
	s7 =	sadd.s32 s22, s5  }
0x9f: {  	[timem:s9], [sflag:s23] =	dma.local [hbm:s7], s21  }
0xa0: {  	_ =	swait.ge [sflag:s23], s21  }
0xa1: {  	s6 =	ssub.s32 $0x0, s21;
	[sflag:s23] =	ssyncset.done $0x0  }
0xa2: {  	[sflag:s23] =	ssyncadd.s32 s6;
	_ =	sdelay $0x1  }
0xa3: {  	s24 =	simm.s32 $0x1B8B  }
0xa4: {  	_ =	swait.ge [sflag:s24], $0x1  }
0xa5: {  	[sflag:s24] =	ssyncset.done $0x0  }
0xa6: {  	s25 =	simm.s32 $0x1B8E;
	[sflag:s24] =	ssyncadd.s32 $0xFFFFFFFF  }
0xa7: {  	s26 =	simm.s32 $execute0_lowered;
	[smem:$0x3FD2] =	sst s25  }
0xa8: {  	s6 =	sshll.u32 s26, $0x1;
	_ =	strace $0x80000046;
	[dreg:$0x1] =	wrdreg $0xFFFFFFFF  }
0xa9: {  	s28 =	simm.s32 $_size_execute0_lowered;
	s5 =	sadd.s32 s5, s6;
	[dreg:$0x0] =	wrdreg $0x0  }
0xaa: {  	s6 =	sshll.u32 s28, $0x1;
	[dreg:$0x2] =	wrdreg s5  }
0xab: {  	[dreg:$0x3] =	wrdreg s6  }
0xac: {  	[dreg:$0x4] =	wrdreg $0xC0  }
0xad: {  	_ =	task [dreg:s9], $0x5FFFF  }
0xae: {  	[dreg:$0x1] =	wrdreg $0xFFFFFFFF  }
0xaf: {  	[dreg:$0x0] =	wrdreg $0x60  }
0xb0: {  	[dreg:$0x2] =	wrdreg s2  }
0xb1: {  	[dreg:$0x3] =	wrdreg s19  }
0xb2: {  	[dreg:$0x4] =	wrdreg s4  }
0xb3: {  	[dreg:$0x5] =	wrdreg $0x9  }
0xb4: {  	_ =	task.clear_ibuf [dreg:s9], $0x6FFFF;
	_ =	strace $0x90000046  }
0xb5: {  	s29 =	simm.s32 $0x9;
	_ =	strace $0x80000048  }
0xb6: {  	_ =	swait.ge [sflag:s29], $0x1  }
0xb7: {  	[sflag:s29] =	ssyncadd.s32 $0xFFFFFFFF  }
0xb8: {  	_ =	strace $0x90000048  }
0xb9: {  	_ =	sfence  }
0xba: {  	s30 =	sld [smem:$0x0];
	_ =	sdelay $0x2  }
0xbb: {  	s31 =	sshll.u32 s1, $0xD;
	s1 =	sshrl.u32 s1, $0x2  }
0xbc: {  	s3 =	sand.u32 $0x4000, s31;
	s1 =	sadd.s32 s1, s30  }
0xbd: {  	s0 =	sor.u32 s3, s0;
	s1 =	sshll.u32 s1, $0x11  }
0xbe: {  	s0 =	sor.u32 s1, s0  }
0xbf: {  	s0 =	sadd.s32 $0x8F2B, s0  }
0xc0: {  	[sflag:s0] =	ssyncadd.remote.s32 $0x1  }
0xc1: {  	_ =	sfence.sel $0xFFFF  }
0xc2: {  	[dreg:$0x0] =	wrdreg $0xFFFFFFFF;
	(pc) =	sbr.abs _section_cstart, $3  }
0xc3: {  	[dreg:$0x1] =	wrdreg $0xFFFFFFFF  }
0xc4: {  	_ =	task.clear_ibuf [dreg:s9], $0x2FFFF;
	_ =	strace $0x9FFFFFFF  }
0xc5: {  	(tm) =	ssettm $0x7FFFFFFF  }
tec
execute0_lowered:
.L_overlay_start_1:
0x0: {  	(tag) =	ssettag $0x1  }
0x1: {  	s1 =	rddreg [dreg:$0x0]  }
0x2: {  	s2 =	srdreg.scid;
	s3 =	rddreg [dreg:$0x1]  }
0x3: {  	s0 =	stileid.u32;
	s9 =	rddreg [dreg:$0x2];
	s14 =	simm.s32 $0x4100  }
0x4: {  	s13 =	simm.s32 $0x100;
	s15 =	simm.s32 $0x8180;
	s17 =	simm.s32 $0xC200  }
0x5: {  	s16 =	simm.s32 $0x8200;
	s18 =	simm.s32 $0x3;
	s8 =	smul.u32 $0x640000, s0  }
0x6: {  	s19 =	simm.s32 $0x0;
	s6 =	sand.u32 $0x1, s2;
	s30 =	smul.u32 $0x1900, s0  }
0x7: {  	s29 =	sshll.u32 s0, $0x1;
	s2 =	rddreg [dreg:$0x3];
	s11 =	smul.u32 $0x320000, s6  }
0x8: {  	s4 =	sor.u32 s6, s29;
	s7 =	ssub.s32 $0x2, s6;
	s12 =	smul.u32 $0xC80, s6  }
0x9: {  	s5 =	smul.u32 $0xC80, s4;
	s4 =	simm.s32 $0x0;
	s10 =	sshrl.u32 s7, $0x1  }
0xa: {  	[smem:$0x7FF] =	sst s4;
	s7 =	ssub.s32 s7, s10;
	s8 =	sadd.s32 s11, s8  }
0xb: {  	s10 =	simm.s32 $0x4;
	_ =	strace $0x80000047;
	s5 =	sadd.s32 s1, s5  }
0xc: {  	s11 =	sshrl.u32 s8, $0x3;
	s8 =	sor.u32 $0x8000, s8;
	[dreg:$0x4] =	wrdreg s14  }
0xd: {  	s6 =	smax.u32 s7, $0x1;
	s14 =	simm.s32 $0x1;
	[dreg:$0x6] =	wrdreg s15  }
0xe: {  	s15 =	simm.s32 $0x5;
	[dreg:$0x5] =	wrdreg s17;
	s17 =	simm.s32 $0x2  }
0xf: {  	s7 =	sadd.s32 s11, s9;
	s31 =	sshrl.u32 s8, $0x3;
	s8 =	sadd.s32 s12, s30  }
0x10: {  	s11 =	simm.s32 $0x8100;
	s12 =	simm.s32 $0x80;
	s9 =	sadd.s32 s31, s9  }
.LBB2_1:
0x11: {  	[tilespmem:s4], [sflag:$0x4] =	stream.linear.gather [hbm4b:s5+s4], $0x100, $0x38;
	[tilespmem:$0x10200] =	vst v63  }
0x12: {  	s20 =	sadd.s32 $0x0, s8;
	s21 =	sand.u32 $0x40, s4  }
0x13: {  	s20 =	sand.u32 $0xFFFFF80, s20;
	s21 =	sadd.s32 s21, s1;
	_ =	swait.ge [sflag:s10], $0x100  }
0x14: {  	p0 =	por $0x1, $0x1;
	s20 =	sadd.s32 s20, s21;
	[sflag:s10] =	ssyncset.done $0x0  }
0x15: {  	s21 =	simm.s32 @!p0 $0x2;
	s20 =	sadd.s32 $0x20, s20;
	[sflag:s10] =	ssyncadd.s32 $0xFFFFFF00  }
0x16: {  	[tilespmem:s11], [sflag:$0x5] =	stream.linear.gather [hbm4b:s20+s4], $0x100, $0x38;
	[tilespmem:$0x10200] =	vst v63  }
0x17: {  	_ =	swait.ge @!p0 [sflag:s21], $0x8000  }
0x18: {  	[sflag:s21] =	ssyncset.done @!p0 $0x0  }
0x19: {  	[sflag:s21] =	ssyncadd.s32 @!p0 $0xFFFF8000  }
0x1a: {  	[tilespmem:s13], [sflag:$0x1] =	stream.indirect.gather [hbm4b:s3+s12], $0x80, s4, s12, $0xb8;
	[tilespmem:$0x10200] =	vst v63  }
0x1b: {  	s29 =	rddreg [dreg:$0x4]  }
0x1c: {  	[tilespmem:s29], [sflag:$0x1] =	stream.indirect.gather [hbm4b:s3+s12], $0x80, s12, s12, $0xb8;
	[tilespmem:$0x10200] =	vst v63  }
0x1d: {  	_ =	swait.ge [sflag:s14], $0x4000  }
0x1e: {  	[sflag:s14] =	ssyncset.done $0x0  }
0x1f: {  	[sflag:s14] =	ssyncadd.s32 $0xFFFFC000  }
0x20: {  	_ =	swait.ge [sflag:s14], $0x4000  }
0x21: {  	p1 =	por $0x0, $0x0;
	s22 =	simm.s32 @!p0 $0x3;
	[sflag:s14] =	ssyncset.done $0x0  }
0x22: {  	s20 =	sadd.s32 @!p1 $0x0, s8;
	s21 =	sxor.u32 @!p1 $0xFFFFFFFF, s4;
	[sflag:s14] =	ssyncadd.s32 $0xFFFFC000  }
0x23: {  	[hbm4b:s7+s4] =	stream.linear.scatter [tilespmem:s13], [sflag:$0x2], $0x8000, $0x38;
	[tilespmem:$0x10200] =	vst v63  }
0x24: {  	s20 =	sadd.s32 @!p1 $0x40, s20;
	s21 =	sand.u32 @!p1 $0x40, s21;
	_ =	swait.ge [sflag:s15], $0x100  }
0x25: {  	s20 =	sand.u32 @!p1 $0xFFFFF80, s20;
	s21 =	sadd.s32 @!p1 s1, s21;
	[sflag:s15] =	ssyncset.done $0x0  }
0x26: {  	s20 =	sadd.s32 @!p1 s20, s21;
	s21 =	simm.s32 @!p1 $0x0;
	[sflag:s15] =	ssyncadd.s32 $0xFFFFFF00  }
0x27: {  	[tilespmem:s21], [sflag:$0x4] =	stream.linear.gather @!p1 [hbm4b:s20+s21], $0x100, $0x38;
	[tilespmem:$0x10200] =	vst v63  }
0x28: {  	_ =	swait.ge @!p0 [sflag:s22], $0x8000  }
0x29: {  	[sflag:s22] =	ssyncset.done @!p0 $0x0  }
0x2a: {  	s30 =	rddreg [dreg:$0x6];
	[sflag:s22] =	ssyncadd.s32 @!p0 $0xFFFF8000  }
0x2b: {  	[tilespmem:s16], [sflag:$0x1] =	stream.indirect.gather [hbm4b:s3+s12], $0x80, s11, s12, $0xb8;
	[tilespmem:$0x10200] =	vst v63  }
0x2c: {  	s31 =	rddreg [dreg:$0x5]  }
0x2d: {  	[tilespmem:s31], [sflag:$0x1] =	stream.indirect.gather [hbm4b:s3+s12], $0x80, s30, s12, $0xb8;
	[tilespmem:$0x10200] =	vst v63  }
0x2e: {  	_ =	swait.ge [sflag:s14], $0x4000  }
0x2f: {  	s23 =	sadd.s32 $0x2000, s9;
	[sflag:s14] =	ssyncset.done $0x0  }
0x30: {  	s24 =	smov.u32 s9;
	s20 =	simm.s32 $0x40;
	[sflag:s14] =	ssyncadd.s32 $0xFFFFC000  }
0x31: {  	s21 =	simm.s32 $0x3;
	s22 =	sadd.s32 $0x2000, s7;
	_ =	swait.ge [sflag:s14], $0x4000  }
.LBB2_2:
0x32: {  	s25 =	sadd.s32 s20, s8;
	[sflag:s14] =	ssyncset.done $0x0  }
0x33: {  	s26 =	sand.u32 $0x40, s20;
	s28 =	smov.u32 s20;
	[sflag:s14] =	ssyncadd.s32 $0xFFFFC000  }
0x34: {  	[hbm4b:s24+s4] =	stream.linear.scatter [tilespmem:s16], [sflag:$0x3], $0x8000, $0x38;
	[tilespmem:$0x10200] =	vst v63  }
0x35: {  	s25 =	sand.u32 $0xFFFFF80, s25;
	s26 =	sadd.s32 s26, s1;
	_ =	swait.ge [sflag:s10], $0x100  }
0x36: {  	p1 =	seq.s32 s28, $0x0;
	s26 =	sadd.s32 s25, s26;
	[sflag:s10] =	ssyncset.done $0x0  }
0x37: {  	s25 =	simm.s32 @!p1 $0x2;
	s24 =	sadd.s32 $0x20, s26;
	[sflag:s10] =	ssyncadd.s32 $0xFFFFFF00  }
0x38: {  	[tilespmem:s11], [sflag:$0x5] =	stream.linear.gather [hbm4b:s24+s4], $0x100, $0x38;
	[tilespmem:$0x10200] =	vst v63  }
0x39: {  	_ =	swait.ge @!p1 [sflag:s25], $0x8000  }
0x3a: {  	[sflag:s25] =	ssyncset.done @!p1 $0x0  }
0x3b: {  	[sflag:s25] =	ssyncadd.s32 @!p1 $0xFFFF8000  }
0x3c: {  	[tilespmem:s13], [sflag:$0x1] =	stream.indirect.gather [hbm4b:s3+s12], $0x80, s4, s12, $0xb8;
	[tilespmem:$0x10200] =	vst v63  }
0x3d: {  	s29 =	rddreg [dreg:$0x4]  }
0x3e: {  	[tilespmem:s29], [sflag:$0x1] =	stream.indirect.gather [hbm4b:s3+s12], $0x80, s12, s12, $0xb8;
	[tilespmem:$0x10200] =	vst v63  }
0x3f: {  	_ =	swait.ge [sflag:s14], $0x4000  }
0x40: {  	[sflag:s14] =	ssyncset.done $0x0  }
0x41: {  	[sflag:s14] =	ssyncadd.s32 $0xFFFFC000  }
0x42: {  	p2 =	sgt.u32 s21, $0x62;
	_ =	swait.ge [sflag:s14], $0x4000  }
0x43: {  	s26 =	sxor.u32 @!p2 $0xFFFFFFFF, s28;
	[sflag:s14] =	ssyncset.done $0x0  }
0x44: {  	s26 =	sand.u32 @!p2 $0x40, s26;
	s25 =	sadd.s32 @!p2 s28, s8;
	[sflag:s14] =	ssyncadd.s32 $0xFFFFC000  }
0x45: {  	[hbm4b:s22+s4] =	stream.linear.scatter [tilespmem:s13], [sflag:$0x2], $0x8000, $0x38;
	[tilespmem:$0x10200] =	vst v63  }
0x46: {  	s26 =	sadd.s32 @!p2 s1, s26;
	s25 =	sadd.s32 @!p2 $0x40, s25;
	_ =	swait.ge [sflag:s15], $0x100  }
0x47: {  	s28 =	simm.s32 @!p1 $0x3;
	s25 =	sand.u32 @!p2 $0xFFFFF80, s25;
	[sflag:s15] =	ssyncset.done $0x0  }
0x48: {  	s25 =	sadd.s32 @!p2 s25, s26;
	s26 =	simm.s32 @!p2 $0x0;
	[sflag:s15] =	ssyncadd.s32 $0xFFFFFF00  }
0x49: {  	[tilespmem:s26], [sflag:$0x4] =	stream.linear.gather @!p2 [hbm4b:s25+s26], $0x100, $0x38;
	[tilespmem:$0x10200] =	vst v63  }
0x4a: {  	_ =	swait.ge @!p1 [sflag:s28], $0x8000  }
0x4b: {  	[sflag:s28] =	ssyncset.done @!p1 $0x0  }
0x4c: {  	s20 =	sadd.s32 $0x40, s20;
	s30 =	rddreg [dreg:$0x6];
	[sflag:s28] =	ssyncadd.s32 @!p1 $0xFFFF8000  }
0x4d: {  	[tilespmem:s16], [sflag:$0x1] =	stream.indirect.gather [hbm4b:s3+s12], $0x80, s11, s12, $0xb8;
	[tilespmem:$0x10200] =	vst v63  }
0x4e: {  	p0 =	sne.s32 s20, $0xC80;
	s31 =	rddreg [dreg:$0x5]  }
0x4f: {  	[tilespmem:s31], [sflag:$0x1] =	stream.indirect.gather [hbm4b:s3+s12], $0x80, s30, s12, $0xb8;
	[tilespmem:$0x10200] =	vst v63  }
.Ltmp0:
0x50: {  	_ = 	snop;
	(pc) =	sbr.rel @p0 .LBB2_2-.Ltmp0, $4  }
0x51: {  	_ =	swait.ge [sflag:s14], $0x4000  }
0x52: {  	[sflag:s14] =	ssyncset.done $0x0  }
0x53: {  	s21 =	sadd.s32 $0x2, s21;
	s24 =	smov.u32 s23;
	[sflag:s14] =	ssyncadd.s32 $0xFFFFC000  }
0x54: {  	s23 =	sadd.s32 $0x2000, s23;
	s22 =	sadd.s32 $0x2000, s22;
	_ =	swait.ge [sflag:s14], $0x4000  }
0x55: {  	[sflag:s14] =	ssyncset.done $0x0  }
0x56: {  	s19 =	sadd.s32 $0x1, s19;
	[sflag:s14] =	ssyncadd.s32 $0xFFFFC000  }
0x57: {  	[hbm4b:s24+s4] =	stream.linear.scatter [tilespmem:s16], [sflag:$0x3], $0x8000, $0x38;
	[tilespmem:$0x10200] =	vst v63  }
0x58: {  	p0 =	sne.s32 s19, s6;
	_ =	swait.ge [sflag:s17], $0x8000  }
.Ltmp1:
0x59: {  	[sflag:s17] =	ssyncset.done $0x0;
	(pc) =	sbr.rel @p0 .LBB2_1-.Ltmp1, $4  }
0x5a: {  	[sflag:s17] =	ssyncadd.s32 $0xFFFF8000  }
0x5b: {  	_ =	swait.ge [sflag:s18], $0x8000  }
0x5c: {  	[sflag:s18] =	ssyncset.done $0x0  }
0x5d: {  	[sflag:s18] =	ssyncadd.s32 $0xFFFF8000  }
0x5e: {  	_ =	sfence.sel $0x180000  }
0x5f: {  	[bflag:$0x0] =	sbarrier.arrive $0xFFFF  }
0x60: {  	p0 =	sne.s32 s0, $0x0;
	_ =	strace $0x90000047  }
0x61: {  	s0 =	sadd.s32 @!p0 $0x100000, s2;
	[bflag:$0x2] =	sbarrier.arrive $0xFFFF  }
0x62: {  	[sflag:s0] =	ssyncadd.tile.s32 @!p0 $0x1;
	_ =	shalt  }
.Lfunc_end2:
_tile_overlayer_lowered:
.L_overlay_start_2:
0x63: {  	(tag) =	ssettag $0x2  }
0x64: {  	s0 =	rddreg [dreg:$0x0];
	s2 =	stileid.u32  }
0x65: {  	s1 =	rddreg [dreg:$0x1];
	p0 =	sne.s32 s2, $0x0  }
0x66: {  	s3 =	rddreg [dreg:$0x2];
	[bflag:$0x3] =	sbarrier.arrive $0xFFFF;
	s2 =	simm.s32 @!p0 $0x1C06  }
0x67: {  	[timem:s3], [sflag:s2] =	dma.local @!p0 [hbm:s0], s1  }
0x68: {  	s0 =	simm.s32 @!p0 $0x6  }
0x69: {  	_ =	swait.ge @!p0 [sflag:s0], s1  }
0x6a: {  	s1 =	ssub.s32 @!p0 $0x0, s1;
	[sflag:s0] =	ssyncset.done @!p0 $0x0  }
0x6b: {  	[sflag:s0] =	ssyncadd.s32 @!p0 s1  }
0x6c: {  	[bflag:$0x3] =	sbarrier.arrive $0xFFFF  }
0x6d: {  	_ =	shalt  }

</sc_bundles>
